<compile_context>
chip_gen: v7x
topology: tpu7x:2x2x1
jax: 0.10.2.dev20260603
libtpu: 0.0.44.dev20260713+nightly
codegen_flags: <defaults>
</compile_context>

<pallas_src>
import dataclasses

import jax
import jax.numpy as jnp
from jax import lax
from jax.experimental import pallas as pl
from jax.experimental.pallas import tpu as pltpu
from jax.experimental.pallas import tpu_sc as plsc

_B = 4096
_D = 2048
_NREG = 64
_VR = 256

_BM = 512
_G = _B // _BM

_NC = 2
_NS = 16
_NW = _NC * _NS
_RPW = _B // _NW
_L = 16
_GRP = _RPW // _L


def _tc_body(x_ref, regsT_ref, wrt_ref, br_ref, wwt_ref, bw_ref, wv_ref,
             bv_ref, emb_ref, vm_ref,
             ro_ref, wo_ref, vo_ref, idx3_ref, fb_ref,
             ehilo_ref, wr_s, ww_s):
    x = x_ref[...]

    @pl.when(pl.program_id(0) == 0)
    def _():
        e = vm_ref[0, 0] * emb_ref[...]
        hi = e.astype(jnp.bfloat16)
        ehilo_ref[0:_VR, :] = hi
        ehilo_ref[_VR:, :] = (e - hi.astype(jnp.float32)).astype(jnp.bfloat16)
        wr_s[...] = wrt_ref[...].T
        ww_s[...] = wwt_ref[...].T

    def amax(l):
        m = jnp.max(l, axis=-1, keepdims=True)
        ii = lax.broadcasted_iota(jnp.int32, l.shape, 1)
        return jnp.min(jnp.where(l == m, ii, l.shape[1]), axis=-1,
                       keepdims=True).astype(jnp.int32)

    rl = jnp.dot(x, wr_s[...], preferred_element_type=jnp.float32) \
        + br_ref[...]
    wl = jnp.dot(x, ww_s[...], preferred_element_type=jnp.float32) \
        + bw_ref[...]
    vl = jnp.dot(x, wv_ref[...], preferred_element_type=jnp.float32) \
        + bv_ref[...]
    ro_ref[...] = rl.T
    wo_ref[...] = wl.T
    vo_ref[...] = vl
    ridx = amax(rl)
    widx = amax(wl)
    wval = amax(vl)

    regs = regsT_ref[...].T
    col = lax.broadcasted_iota(jnp.int32, regs.shape, 1)
    sel = jnp.where(col == ridx, regs, 0).astype(jnp.bfloat16)
    ones_col = jnp.ones((_NREG, 1), jnp.bfloat16)
    rvf = jnp.dot(sel, ones_col, preferred_element_type=jnp.float32)
    rv = rvf.astype(jnp.int32)
    idx3_ref[...] = jnp.concatenate([widx, wval, rv, rv], axis=1)

    rvc = jnp.minimum(jnp.maximum(rv, 0), _VR - 1)
    vcol = lax.broadcasted_iota(jnp.int32, (rv.shape[0], 2 * _VR), 1)
    onehot2 = ((vcol & (_VR - 1)) == rvc).astype(jnp.bfloat16)
    fb_ref[...] = jnp.dot(onehot2, ehilo_ref[...],
                          preferred_element_type=jnp.float32)


def _tc_call(x, registers, w_r_t, b_r, w_w_t, b_w, w_v, b_v, emb, vm):
    f32 = jnp.float32
    i32 = jnp.int32
    in_specs = [
        pl.BlockSpec((_BM, _D), lambda i: (i, 0)),
        pl.BlockSpec((_NREG, _BM), lambda i: (0, i)),
        pl.BlockSpec((_NREG + 1, _D), lambda i: (0, 0)),
        pl.BlockSpec((1, _NREG + 1), lambda i: (0, 0)),
        pl.BlockSpec((_NREG + 1, _D), lambda i: (0, 0)),
        pl.BlockSpec((1, _NREG + 1), lambda i: (0, 0)),
        pl.BlockSpec((_D, _VR), lambda i: (0, 0)),
        pl.BlockSpec((1, _VR), lambda i: (0, 0)),
        pl.BlockSpec((_VR, _D), lambda i: (0, 0)),
        pl.BlockSpec((1, 1), lambda i: (0, 0)),
    ]
    out_specs = [
        pl.BlockSpec((_NREG + 1, _BM), lambda i: (0, i)),
        pl.BlockSpec((_NREG + 1, _BM), lambda i: (0, i)),
        pl.BlockSpec((_BM, _VR), lambda i: (i, 0)),
        pl.BlockSpec((_BM, 4), lambda i: (i, 0)),
        pl.BlockSpec((_BM, _D), lambda i: (i, 0)),
    ]
    out_shape = [
        jax.ShapeDtypeStruct((_NREG + 1, _B), f32),
        jax.ShapeDtypeStruct((_NREG + 1, _B), f32),
        jax.ShapeDtypeStruct((_B, _VR), f32),
        jax.ShapeDtypeStruct((_B, 4), i32),
        jax.ShapeDtypeStruct((_B, _D), f32),
    ]
    return pl.pallas_call(
        _tc_body,
        grid=(_G,),
        in_specs=in_specs,
        out_specs=out_specs,
        out_shape=out_shape,
        scratch_shapes=[
            pltpu.VMEM((2 * _VR, _D), jnp.bfloat16),
            pltpu.VMEM((_D, _NREG + 1), jnp.float32),
            pltpu.VMEM((_D, _NREG + 1), jnp.float32),
        ],
        compiler_params=pltpu.CompilerParams(
            dimension_semantics=("arbitrary",)),
    )(x, registers, w_r_t, b_r, w_w_t, b_w, w_v, b_v, emb, vm)


def _sc_body(regsT_hbm, idx3_hbm,
             nregsT_hbm, rvflat_hbm,
             idx3_v, regsT_v, rvf_v, sem_idx, sem_regs):
    wid = lax.axis_index("s") * _NC + lax.axis_index("c")
    base = wid * _RPW
    c_ix = pltpu.async_copy(idx3_hbm.at[pl.ds(base, _RPW)], idx3_v, sem_idx)
    c_rg = pltpu.async_copy(
        regsT_hbm.at[:, pl.ds(base, _RPW)], regsT_v, sem_regs)
    c_ix.wait()
    c_rg.wait()

    zeros16 = jnp.zeros((_L,), jnp.int32)

    @pl.loop(0, _GRP)
    def _(g):
        rows16 = lax.iota(jnp.int32, _L) + (g * _L)
        wi = plsc.load_gather(idx3_v, [rows16, zeros16])
        wv = plsc.load_gather(idx3_v, [rows16, zeros16 + 1])
        rvg = plsc.load_gather(idx3_v, [rows16, zeros16 + 2])
        rvf_v[pl.ds(g * _L, _L)] = rvg
        wmask = wi < _NREG
        wcol = jnp.minimum(wi, _NREG - 1)
        plsc.store_scatter(regsT_v, [wcol, rows16], wv, mask=wmask)

    pltpu.sync_copy(regsT_v, nregsT_hbm.at[:, pl.ds(base, _RPW)])
    pltpu.sync_copy(rvf_v, rvflat_hbm.at[pl.ds(base, _RPW)])


def _sc_call(regsT, idx3):
    i32 = jnp.int32
    mesh = plsc.VectorSubcoreMesh(core_axis_name="c", subcore_axis_name="s")
    cp = pltpu.CompilerParams()
    if "needs_layout_passes" in pltpu.CompilerParams.__dataclass_fields__:
        cp = dataclasses.replace(cp, needs_layout_passes=False)
    kern = pl.kernel(
        _sc_body,
        out_type=[
            jax.ShapeDtypeStruct((_NREG, _B), i32),
            jax.ShapeDtypeStruct((_B,), i32),
        ],
        mesh=mesh,
        scratch_types=[
            pltpu.VMEM((_RPW, 4), i32),
            pltpu.VMEM((_NREG, _RPW), i32),
            pltpu.VMEM((_RPW,), i32),
            pltpu.SemaphoreType.DMA,
            pltpu.SemaphoreType.DMA,
        ],
        compiler_params=cp,
    )
    return kern(regsT, idx3)


def kernel(x, registers, W_read, b_read, W_write, b_write, W_val, b_val,
           value_emb, value_mix):
    br = b_read.reshape(1, _NREG + 1)
    bw = b_write.reshape(1, _NREG + 1)
    bv = b_val.reshape(1, _VR)
    vm = value_mix.reshape(1, 1)
    regsT = registers.T
    roT, woT, vo, idx3, fb = _tc_call(
        x, regsT, W_read.T, br, W_write.T, bw, W_val, bv, value_emb, vm)
    nregsT, rvflat = _sc_call(regsT, idx3)
    return (roT.T, woT.T, vo, nregsT.T, rvflat, fb)

# --- scband reference (transcript-rebuilt; emitter-appended) ---
"""Pipeline reference for scband-register-bank-82832739270886 (READ-ONLY COPY).

The authoritative reference and input builder live on the scoring server;
editing this copy changes nothing except your own understanding.
"""

import jax, jax.numpy as jnp
import numpy as np

B = 4096
D = 2048
NREG = 64
VRANGE = 256


def setup_inputs(seed: int = 0) -> dict:
    key = jax.random.key(seed)
    ks = jax.random.split(key, 8)
    x = jax.random.normal(ks[0], (B, D), dtype=jnp.float32)
    registers = jax.random.randint(ks[1], (B, NREG), 0, VRANGE, dtype=jnp.int32)
    W_read = 0.01 * jax.random.normal(ks[2], (D, NREG + 1), dtype=jnp.float32)
    b_read = jnp.zeros((NREG + 1,), dtype=jnp.float32).at[NREG].set(2.0)
    W_write = 0.01 * jax.random.normal(ks[3], (D, NREG + 1), dtype=jnp.float32)
    b_write = jnp.zeros((NREG + 1,), dtype=jnp.float32).at[NREG].set(2.0)
    W_val = 0.01 * jax.random.normal(ks[4], (D, VRANGE), dtype=jnp.float32)
    b_val = jnp.zeros((VRANGE,), dtype=jnp.float32)
    value_emb = 0.02 * jax.random.normal(ks[5], (VRANGE, D), dtype=jnp.float32)
    value_mix = jnp.asarray(0.1, dtype=jnp.float32)
    return {"x": x, "registers": registers, "W_read": W_read, "b_read": b_read,
            "W_write": W_write, "b_write": b_write, "W_val": W_val, "b_val": b_val,
            "value_emb": value_emb, "value_mix": value_mix}


def reference(x, registers, W_read, b_read, W_write, b_write, W_val, b_val, value_emb, value_mix):
    # heads(x)
    read_logits = x @ W_read + b_read
    write_logits = x @ W_write + b_write
    val_logits = x @ W_val + b_val
    # straight_through_argmax (forward path: softmax then argmax)
    read_idx = jnp.argmax(jax.nn.softmax(read_logits, axis=-1), axis=-1)
    write_idx = jnp.argmax(jax.nn.softmax(write_logits, axis=-1), axis=-1)
    write_val = jnp.argmax(jax.nn.softmax(val_logits, axis=-1), axis=-1)
    # execute_step: gather read, scatter write
    Bn, N = registers.shape
    rows = jnp.arange(Bn)
    clamped_read = jnp.clip(read_idx, 0, N - 1)
    read_value = registers[rows, clamped_read]
    read_value = jnp.where(read_idx == N, jnp.zeros_like(read_value), read_value)
    is_write = write_idx < N
    safe_w = jnp.clip(write_idx, 0, N - 1)
    cur = registers[rows, safe_w]
    new_vals = jnp.where(is_write, write_val.astype(registers.dtype), cur)
    new_regs = registers.at[rows, safe_w].set(new_vals)
    # read_feedback: embed read results
    fb = value_mix * value_emb[jnp.clip(read_value, 0, VRANGE - 1)]
    return (read_logits, write_logits, val_logits, new_regs, read_value, fb)

if __name__ == "__main__":
    import jax
    _d = setup_inputs()
    print(jax.jit(kernel)(*tuple(_d.values())))

</pallas_src>

<mosaic_0001>
#map = affine_map<(d0, d1) -> (0, 0)>
#map1 = affine_map<(d0, d1) -> (0)>
module attributes {stable_mosaic.version = 14 : i64} {
  func.func @_sc_body(%arg0: i32, %arg1: i32, %arg2: memref<64x4096xi32, #tpu.memory_space<hbm>>, %arg3: memref<4096x4xi32, #tpu.memory_space<hbm>>, %arg4: memref<64x4096xi32, #tpu.memory_space<hbm>>, %arg5: memref<4096xi32, #tpu.memory_space<hbm>>, %arg6: memref<128x4xi32, #tpu.memory_space<vmem>>, %arg7: memref<64x128xi32, #tpu.memory_space<vmem>>, %arg8: memref<128xi32, #tpu.memory_space<vmem>>, %arg9: memref<!tpu.dma_semaphore, #tpu.memory_space<semaphore_mem>>, %arg10: memref<!tpu.dma_semaphore, #tpu.memory_space<semaphore_mem>>) attributes {dimension_semantics = [#tpu.dimension_semantics<core_parallel>, #tpu.dimension_semantics<subcore_parallel>], iteration_bounds = array<i64: 2, 16>, scalar_prefetch = 0 : i64, scratch_operands = 5 : i64, tpu.core_type = #tpu.core_type<sc_vector_subcore>, window_params = [{transform_indices = #map}, {transform_indices = #map}, {transform_indices = #map}, {transform_indices = #map1}]} {
    %mul3A = arith.constant 2 : i32
    %mul3A_0 = arith.muli %arg1, %mul3A : i32
    %add3A = arith.addi %mul3A_0, %arg0 : i32
    %mul3A_1 = arith.constant 128 : i32
    %mul3A_2 = arith.muli %add3A, %mul3A_1 : i32
    %dma_start3A = arith.constant 0 : i32
    %dma_start3A_3 = tpu.memref_slice %arg3[%mul3A_2, %dma_start3A] : memref<4096x4xi32, #tpu.memory_space<hbm>> -> memref<128x4xi32, #tpu.memory_space<hbm>>
    %dma_start3A_4 = arith.constant 0 : i32
    %dma_start3A_5 = tpu.memref_slice %arg3[%mul3A_2, %dma_start3A_4] : memref<4096x4xi32, #tpu.memory_space<hbm>> -> memref<128x4xi32, #tpu.memory_space<hbm>>
    tpu.enqueue_dma source(%dma_start3A_5 : memref<128x4xi32, #tpu.memory_space<hbm>>) target(%arg6 : memref<128x4xi32, #tpu.memory_space<vmem>>) target_semaphore(%arg9 : memref<!tpu.dma_semaphore, #tpu.memory_space<semaphore_mem>>)
    %dma_start3A_6 = arith.constant 0 : i32
    %dma_start3A_7 = tpu.memref_slice %arg2[%dma_start3A_6, %mul3A_2] : memref<64x4096xi32, #tpu.memory_space<hbm>> -> memref<64x128xi32, #tpu.memory_space<hbm>>
    %dma_start3A_8 = arith.constant 0 : i32
    %dma_start3A_9 = tpu.memref_slice %arg2[%dma_start3A_8, %mul3A_2] : memref<64x4096xi32, #tpu.memory_space<hbm>> -> memref<64x128xi32, #tpu.memory_space<hbm>>
    tpu.enqueue_dma source(%dma_start3A_9 : memref<64x128xi32, #tpu.memory_space<hbm>>) target(%arg7 : memref<64x128xi32, #tpu.memory_space<vmem>>) target_semaphore(%arg10 : memref<!tpu.dma_semaphore, #tpu.memory_space<semaphore_mem>>)
    %dma_wait3A = arith.constant 0 : i32
    %dma_wait3A_10 = tpu.memref_slice %arg3[%mul3A_2, %dma_wait3A] : memref<4096x4xi32, #tpu.memory_space<hbm>> -> memref<128x4xi32, #tpu.memory_space<hbm>>
    %dma_wait3A_11 = arith.constant 0 : i32
    %dma_wait3A_12 = tpu.memref_slice %arg3[%mul3A_2, %dma_wait3A_11] : memref<4096x4xi32, #tpu.memory_space<hbm>> -> memref<128x4xi32, #tpu.memory_space<hbm>>
    tpu.wait_dma2 semaphore(%arg9 : memref<!tpu.dma_semaphore, #tpu.memory_space<semaphore_mem>>) src(%dma_wait3A_12 : memref<128x4xi32, #tpu.memory_space<hbm>>) dst(%arg6 : memref<128x4xi32, #tpu.memory_space<vmem>>)
    %dma_wait3A_13 = arith.constant 0 : i32
    %dma_wait3A_14 = tpu.memref_slice %arg2[%dma_wait3A_13, %mul3A_2] : memref<64x4096xi32, #tpu.memory_space<hbm>> -> memref<64x128xi32, #tpu.memory_space<hbm>>
    %dma_wait3A_15 = arith.constant 0 : i32
    %dma_wait3A_16 = tpu.memref_slice %arg2[%dma_wait3A_15, %mul3A_2] : memref<64x4096xi32, #tpu.memory_space<hbm>> -> memref<64x128xi32, #tpu.memory_space<hbm>>
    tpu.wait_dma2 semaphore(%arg10 : memref<!tpu.dma_semaphore, #tpu.memory_space<semaphore_mem>>) src(%dma_wait3A_16 : memref<64x128xi32, #tpu.memory_space<hbm>>) dst(%arg7 : memref<64x128xi32, #tpu.memory_space<vmem>>)
    %broadcast_in_dim3A = arith.constant 0 : i32
    %broadcast_in_dim3A_17 = vector.broadcast %broadcast_in_dim3A : i32 to vector<16xi32>
    %scan3A = arith.constant 0 : i32
    %scan3A_18 = arith.constant 8 : i32
    %scan3A_19 = arith.addi %scan3A, %scan3A_18 : i32
    %scan3A_20 = arith.constant 1 : i32
    scf.for %scan3A_22 = %scan3A to %scan3A_19 step %scan3A_20  : i32 {
      %mul3A_23 = arith.constant 1 : i32
      %mul3A_24 = arith.muli %scan3A_22, %mul3A_23 : i32
      %add3A_25 = arith.constant 0 : i32
      %add3A_26 = arith.addi %add3A_25, %mul3A_24 : i32
      %iota3A = tpu.iota {dimensions = array<i32: 0>} : vector<16xi32>
      %mul3A_27 = arith.constant 16 : i32
      %mul3A_28 = arith.muli %add3A_26, %mul3A_27 : i32
      %add3A_29 = vector.broadcast %mul3A_28 : i32 to vector<16xi32>
      %add3A_30 = arith.addi %iota3A, %add3A_29 : vector<16xi32>
      %gather3A = tpu.vector_load_idx %arg6[%add3A_30, %broadcast_in_dim3A_17] : memref<128x4xi32, #tpu.memory_space<vmem>>[vector<16xi32>, vector<16xi32>], vector<16xi32>,
      %add3A_31 = arith.constant 1 : i32
      %add3A_32 = vector.broadcast %add3A_31 : i32 to vector<16xi32>
      %add3A_33 = arith.addi %broadcast_in_dim3A_17, %add3A_32 : vector<16xi32>
      %gather3A_34 = tpu.vector_load_idx %arg6[%add3A_30, %add3A_33] : memref<128x4xi32, #tpu.memory_space<vmem>>[vector<16xi32>, vector<16xi32>], vector<16xi32>,
      %add3A_35 = arith.constant 2 : i32
      %add3A_36 = vector.broadcast %add3A_35 : i32 to vector<16xi32>
      %add3A_37 = arith.addi %broadcast_in_dim3A_17, %add3A_36 : vector<16xi32>
      %gather3A_38 = tpu.vector_load_idx %arg6[%add3A_30, %add3A_37] : memref<128x4xi32, #tpu.memory_space<vmem>>[vector<16xi32>, vector<16xi32>], vector<16xi32>,
      %mul3A_39 = arith.constant 16 : i32
      %mul3A_40 = arith.muli %add3A_26, %mul3A_39 : i32
      %swap3A = arith.index_cast %mul3A_40 : i32 to index
      %swap3A_41 = tpu.vector_load %arg8[%swap3A] {strides = array<i32>} : memref<128xi32, #tpu.memory_space<vmem>>, vector<16xi32>,
      tpu.vector_store %arg8[%swap3A], %gather3A_38 {strides = array<i32>} : memref<128xi32, #tpu.memory_space<vmem>>, vector<16xi32>,
      %lt3A = arith.constant 64 : i32
      %lt3A_42 = vector.broadcast %lt3A : i32 to vector<16xi32>
      %lt3A_43 = arith.cmpi slt, %gather3A, %lt3A_42 : vector<16xi32>
      %min3A = arith.constant 63 : i32
      %min3A_44 = vector.broadcast %min3A : i32 to vector<16xi32>
      %min3A_45 = arith.minsi %gather3A, %min3A_44 : vector<16xi32>
      tpu.vector_store_idx %arg7[%min3A_45, %add3A_30], %gather3A_34 masked %lt3A_43 : memref<64x128xi32, #tpu.memory_space<vmem>>[vector<16xi32>, vector<16xi32>], vector<16xi32>, vector<16xi1>
    }
    %scan3A_21 = arith.constant 8 : i32
    "tpu.region"() ({
      %run_scoped3A = tpu.sem_alloc : memref<!tpu.dma_semaphore, #tpu.memory_space<semaphore_mem>>
      %dma_start3A_22 = arith.constant 0 : i32
      %dma_start3A_23 = tpu.memref_slice %arg4[%dma_start3A_22, %mul3A_2] : memref<64x4096xi32, #tpu.memory_space<hbm>> -> memref<64x128xi32, #tpu.memory_space<hbm>>
      %dma_start3A_24 = arith.constant 0 : i32
      %dma_start3A_25 = tpu.memref_slice %arg4[%dma_start3A_24, %mul3A_2] : memref<64x4096xi32, #tpu.memory_space<hbm>> -> memref<64x128xi32, #tpu.memory_space<hbm>>
      tpu.enqueue_dma source(%arg7 : memref<64x128xi32, #tpu.memory_space<vmem>>) target(%dma_start3A_25 : memref<64x128xi32, #tpu.memory_space<hbm>>) target_semaphore(%run_scoped3A : memref<!tpu.dma_semaphore, #tpu.memory_space<semaphore_mem>>)
      %dma_wait3A_26 = arith.constant 0 : i32
      %dma_wait3A_27 = tpu.memref_slice %arg4[%dma_wait3A_26, %mul3A_2] : memref<64x4096xi32, #tpu.memory_space<hbm>> -> memref<64x128xi32, #tpu.memory_space<hbm>>
      %dma_wait3A_28 = arith.constant 0 : i32
      %dma_wait3A_29 = tpu.memref_slice %arg4[%dma_wait3A_28, %mul3A_2] : memref<64x4096xi32, #tpu.memory_space<hbm>> -> memref<64x128xi32, #tpu.memory_space<hbm>>
      tpu.wait_dma2 semaphore(%run_scoped3A : memref<!tpu.dma_semaphore, #tpu.memory_space<semaphore_mem>>) src(%arg7 : memref<64x128xi32, #tpu.memory_space<vmem>>) dst(%dma_wait3A_29 : memref<64x128xi32, #tpu.memory_space<hbm>>)
      tpu.yield
    }) : () -> ()
    "tpu.region"() ({
      %run_scoped3A = tpu.sem_alloc : memref<!tpu.dma_semaphore, #tpu.memory_space<semaphore_mem>>
      %dma_start3A_22 = tpu.memref_slice %arg5[%mul3A_2] : memref<4096xi32, #tpu.memory_space<hbm>> -> memref<128xi32, #tpu.memory_space<hbm>>
      %dma_start3A_23 = tpu.memref_slice %arg5[%mul3A_2] : memref<4096xi32, #tpu.memory_space<hbm>> -> memref<128xi32, #tpu.memory_space<hbm>>
      tpu.enqueue_dma source(%arg8 : memref<128xi32, #tpu.memory_space<vmem>>) target(%dma_start3A_23 : memref<128xi32, #tpu.memory_space<hbm>>) target_semaphore(%run_scoped3A : memref<!tpu.dma_semaphore, #tpu.memory_space<semaphore_mem>>)
      %dma_wait3A_24 = tpu.memref_slice %arg5[%mul3A_2] : memref<4096xi32, #tpu.memory_space<hbm>> -> memref<128xi32, #tpu.memory_space<hbm>>
      %dma_wait3A_25 = tpu.memref_slice %arg5[%mul3A_2] : memref<4096xi32, #tpu.memory_space<hbm>> -> memref<128xi32, #tpu.memory_space<hbm>>
      tpu.wait_dma2 semaphore(%run_scoped3A : memref<!tpu.dma_semaphore, #tpu.memory_space<semaphore_mem>>) src(%arg8 : memref<128xi32, #tpu.memory_space<vmem>>) dst(%dma_wait3A_25 : memref<128xi32, #tpu.memory_space<hbm>>)
      tpu.yield
    }) : () -> ()
    return
  }
}

module attributes {stable_mosaic.version = 14 : i64} {
  func.func @_tc_body(%arg0: i32, %arg1: memref<512x2048xf32, #tpu.memory_space<vmem>>, %arg2: memref<64x512xi32, #tpu.memory_space<vmem>>, %arg3: memref<65x2048xf32, #tpu.memory_space<vmem>>, %arg4: memref<1x65xf32, #tpu.memory_space<vmem>>, %arg5: memref<65x2048xf32, #tpu.memory_space<vmem>>, %arg6: memref<1x65xf32, #tpu.memory_space<vmem>>, %arg7: memref<2048x256xf32, #tpu.memory_space<vmem>>, %arg8: memref<1x256xf32, #tpu.memory_space<vmem>>, %arg9: memref<256x2048xf32, #tpu.memory_space<vmem>>, %arg10: memref<1x1xf32, #tpu.memory_space<vmem>>, %arg11: memref<65x512xf32, #tpu.memory_space<vmem>>, %arg12: memref<65x512xf32, #tpu.memory_space<vmem>>, %arg13: memref<512x256xf32, #tpu.memory_space<vmem>>, %arg14: memref<512x4xi32, #tpu.memory_space<vmem>>, %arg15: memref<512x2048xf32, #tpu.memory_space<vmem>>, %arg16: memref<512x2048xbf16, #tpu.memory_space<vmem>>, %arg17: memref<2048x65xf32, #tpu.memory_space<vmem>>, %arg18: memref<2048x65xf32, #tpu.memory_space<vmem>>) attributes {dimension_semantics = [#tpu.dimension_semantics<arbitrary>], iteration_bounds = array<i64: 8>, scalar_prefetch = 0 : i64, scratch_operands = 3 : i64, tpu.core_type = #tpu.core_type<tc>, window_params = [{transform_indices = @transform_0, window_bounds = array<i64: 512, 2048>}, {transform_indices = @transform_1, window_bounds = array<i64: 64, 512>}, {pipeline_mode = #tpu.pipeline_mode<synchronous>, transform_indices = @transform_2, window_bounds = array<i64: 65, 2048>}, {pipeline_mode = #tpu.pipeline_mode<synchronous>, transform_indices = @transform_3, window_bounds = array<i64: 1, 65>}, {pipeline_mode = #tpu.pipeline_mode<synchronous>, transform_indices = @transform_4, window_bounds = array<i64: 65, 2048>}, {pipeline_mode = #tpu.pipeline_mode<synchronous>, transform_indices = @transform_5, window_bounds = array<i64: 1, 65>}, {pipeline_mode = #tpu.pipeline_mode<synchronous>, transform_indices = @transform_6, window_bounds = array<i64: 2048, 256>}, {pipeline_mode = #tpu.pipeline_mode<synchronous>, transform_indices = @transform_7, window_bounds = array<i64: 1, 256>}, {pipeline_mode = #tpu.pipeline_mode<synchronous>, transform_indices = @transform_8, window_bounds = array<i64: 256, 2048>}, {pipeline_mode = #tpu.pipeline_mode<synchronous>, transform_indices = @transform_9, window_bounds = array<i64: 1, 1>}, {transform_indices = @transform_10, window_bounds = array<i64: 65, 512>}, {transform_indices = @transform_11, window_bounds = array<i64: 65, 512>}, {transform_indices = @transform_12, window_bounds = array<i64: 512, 256>}, {transform_indices = @transform_13, window_bounds = array<i64: 512, 4>}, {transform_indices = @transform_14, window_bounds = array<i64: 512, 2048>}]} {
    %get3A = arith.constant 0 : index
    %get3A_0 = arith.constant 0 : index
    %get3A_1 = vector.load %arg1[%get3A, %get3A_0] : memref<512x2048xf32, #tpu.memory_space<vmem>>, vector<512x2048xf32>
    %eq3A = arith.constant 0 : i32
    %eq3A_2 = arith.cmpi eq, %arg0, %eq3A : i32
    %convert_element_type3A = arith.extui %eq3A_2 : i1 to i32
    %cond3A = arith.constant 0 : i32
    %cond3A_3 = arith.cmpi ne, %convert_element_type3A, %cond3A : i32
    scf.if %cond3A_3 {
      %get3A_110 = arith.constant 0 : index
      %get3A_111 = arith.constant 0 : index
      %get3A_112 = vector.load %arg10[%get3A_110, %get3A_111] : memref<1x1xf32, #tpu.memory_space<vmem>>, vector<1x1xf32>
      %get3A_113 = vector.extract %get3A_112[0, 0] : f32 from vector<1x1xf32>
      %get3A_114 = arith.constant 0 : index
      %get3A_115 = arith.constant 0 : index
      %get3A_116 = vector.load %arg9[%get3A_114, %get3A_115] : memref<256x2048xf32, #tpu.memory_space<vmem>>, vector<256x2048xf32>
      %mul3A = vector.broadcast %get3A_113 : f32 to vector<256x2048xf32>
      %mul3A_117 = arith.mulf %mul3A, %get3A_116 : vector<256x2048xf32>
      %convert_element_type3A_118 = arith.truncf %mul3A_117 : vector<256x2048xf32> to vector<256x2048xbf16>
      %swap3A_119 = arith.constant 0 : index
      %swap3A_120 = arith.constant 0 : index
      %swap3A_121 = vector.load %arg16[%swap3A_119, %swap3A_120] : memref<512x2048xbf16, #tpu.memory_space<vmem>>, vector<256x2048xbf16>
      tpu.vector_store %arg16[%swap3A_119, %swap3A_120], %convert_element_type3A_118 {strides = array<i32>} : memref<512x2048xbf16, #tpu.memory_space<vmem>>, vector<256x2048xbf16>,
      %convert_element_type3A_122 = arith.extf %convert_element_type3A_118 : vector<256x2048xbf16> to vector<256x2048xf32>
      %sub3A = arith.subf %mul3A_117, %convert_element_type3A_122 : vector<256x2048xf32>
      %convert_element_type3A_123 = arith.truncf %sub3A : vector<256x2048xf32> to vector<256x2048xbf16>
      %swap3A_124 = arith.constant 256 : index
      %swap3A_125 = arith.constant 0 : index
      %swap3A_126 = vector.load %arg16[%swap3A_124, %swap3A_125] : memref<512x2048xbf16, #tpu.memory_space<vmem>>, vector<256x2048xbf16>
      tpu.vector_store %arg16[%swap3A_124, %swap3A_125], %convert_element_type3A_123 {strides = array<i32>} : memref<512x2048xbf16, #tpu.memory_space<vmem>>, vector<256x2048xbf16>,
      %get3A_127 = arith.constant 0 : index
      %get3A_128 = arith.constant 0 : index
      %get3A_129 = vector.load %arg3[%get3A_127, %get3A_128] : memref<65x2048xf32, #tpu.memory_space<vmem>>, vector<65x2048xf32>
      %transpose3A_130 = tpu.transpose %get3A_129, [1, 0] : vector<65x2048xf32> -> vector<2048x65xf32>
      %swap3A_131 = arith.constant 0 : index
      %swap3A_132 = arith.constant 0 : index
      %swap3A_133 = vector.load %arg17[%swap3A_131, %swap3A_132] : memref<2048x65xf32, #tpu.memory_space<vmem>>, vector<2048x65xf32>
      tpu.vector_store %arg17[%swap3A_131, %swap3A_132], %transpose3A_130 {strides = array<i32>} : memref<2048x65xf32, #tpu.memory_space<vmem>>, vector<2048x65xf32>,
      %get3A_134 = arith.constant 0 : index
      %get3A_135 = arith.constant 0 : index
      %get3A_136 = vector.load %arg5[%get3A_134, %get3A_135] : memref<65x2048xf32, #tpu.memory_space<vmem>>, vector<65x2048xf32>
      %transpose3A_137 = tpu.transpose %get3A_136, [1, 0] : vector<65x2048xf32> -> vector<2048x65xf32>
      %swap3A_138 = arith.constant 0 : index
      %swap3A_139 = arith.constant 0 : index
      %swap3A_140 = vector.load %arg18[%swap3A_138, %swap3A_139] : memref<2048x65xf32, #tpu.memory_space<vmem>>, vector<2048x65xf32>
      tpu.vector_store %arg18[%swap3A_138, %swap3A_139], %transpose3A_137 {strides = array<i32>} : memref<2048x65xf32, #tpu.memory_space<vmem>>, vector<2048x65xf32>,
    } else {
    }
    %get3A_4 = arith.constant 0 : index
    %get3A_5 = arith.constant 0 : index
    %get3A_6 = vector.load %arg17[%get3A_4, %get3A_5] : memref<2048x65xf32, #tpu.memory_space<vmem>>, vector<2048x65xf32>
    %dot_general3A = arith.constant dense<0.000000e+00> : vector<512x65xf32>
    %dot_general3A_7 = tpu.matmul %get3A_1, %get3A_6, %dot_general3A {dimension_numbers = #tpu.dot_dimension_numbers<[1], [0], [0], [1], [0, 0, 1, 1], [], []>, transpose_lhs_hint = false} : vector<512x2048xf32>, vector<2048x65xf32>, vector<512x65xf32> -> vector<512x65xf32>
    %get3A_8 = arith.constant 0 : index
    %get3A_9 = arith.constant 0 : index
    %get3A_10 = vector.load %arg4[%get3A_8, %get3A_9] : memref<1x65xf32, #tpu.memory_space<vmem>>, vector<1x65xf32>
    %add3A = vector.broadcast %get3A_10 : vector<1x65xf32> to vector<512x65xf32>
    %add3A_11 = arith.addf %dot_general3A_7, %add3A : vector<512x65xf32>
    %get3A_12 = arith.constant 0 : index
    %get3A_13 = arith.constant 0 : index
    %get3A_14 = vector.load %arg18[%get3A_12, %get3A_13] : memref<2048x65xf32, #tpu.memory_space<vmem>>, vector<2048x65xf32>
    %dot_general3A_15 = arith.constant dense<0.000000e+00> : vector<512x65xf32>
    %dot_general3A_16 = tpu.matmul %get3A_1, %get3A_14, %dot_general3A_15 {dimension_numbers = #tpu.dot_dimension_numbers<[1], [0], [0], [1], [0, 0, 1, 1], [], []>, transpose_lhs_hint = false} : vector<512x2048xf32>, vector<2048x65xf32>, vector<512x65xf32> -> vector<512x65xf32>
    %get3A_17 = arith.constant 0 : index
    %get3A_18 = arith.constant 0 : index
    %get3A_19 = vector.load %arg6[%get3A_17, %get3A_18] : memref<1x65xf32, #tpu.memory_space<vmem>>, vector<1x65xf32>
    %add3A_20 = vector.broadcast %get3A_19 : vector<1x65xf32> to vector<512x65xf32>
    %add3A_21 = arith.addf %dot_general3A_16, %add3A_20 : vector<512x65xf32>
    %get3A_22 = arith.constant 0 : index
    %get3A_23 = arith.constant 0 : index
    %get3A_24 = vector.load %arg7[%get3A_22, %get3A_23] : memref<2048x256xf32, #tpu.memory_space<vmem>>, vector<2048x256xf32>
    %dot_general3A_25 = arith.constant dense<0.000000e+00> : vector<512x256xf32>
    %dot_general3A_26 = tpu.matmul %get3A_1, %get3A_24, %dot_general3A_25 {dimension_numbers = #tpu.dot_dimension_numbers<[1], [0], [0], [1], [0, 0, 1, 1], [], []>, transpose_lhs_hint = false} : vector<512x2048xf32>, vector<2048x256xf32>, vector<512x256xf32> -> vector<512x256xf32>
    %get3A_27 = arith.constant 0 : index
    %get3A_28 = arith.constant 0 : index
    %get3A_29 = vector.load %arg8[%get3A_27, %get3A_28] : memref<1x256xf32, #tpu.memory_space<vmem>>, vector<1x256xf32>
    %add3A_30 = vector.broadcast %get3A_29 : vector<1x256xf32> to vector<512x256xf32>
    %add3A_31 = arith.addf %dot_general3A_26, %add3A_30 : vector<512x256xf32>
    %transpose3A = tpu.transpose %add3A_11, [1, 0] : vector<512x65xf32> -> vector<65x512xf32>
    %swap3A = arith.constant 0 : index
    %swap3A_32 = arith.constant 0 : index
    %swap3A_33 = vector.load %arg11[%swap3A, %swap3A_32] : memref<65x512xf32, #tpu.memory_space<vmem>>, vector<65x512xf32>
    tpu.vector_store %arg11[%swap3A, %swap3A_32], %transpose3A {strides = array<i32>} : memref<65x512xf32, #tpu.memory_space<vmem>>, vector<65x512xf32>,
    %transpose3A_34 = tpu.transpose %add3A_21, [1, 0] : vector<512x65xf32> -> vector<65x512xf32>
    %swap3A_35 = arith.constant 0 : index
    %swap3A_36 = arith.constant 0 : index
    %swap3A_37 = vector.load %arg12[%swap3A_35, %swap3A_36] : memref<65x512xf32, #tpu.memory_space<vmem>>, vector<65x512xf32>
    tpu.vector_store %arg12[%swap3A_35, %swap3A_36], %transpose3A_34 {strides = array<i32>} : memref<65x512xf32, #tpu.memory_space<vmem>>, vector<65x512xf32>,
    %swap3A_38 = arith.constant 0 : index
    %swap3A_39 = arith.constant 0 : index
    %swap3A_40 = vector.load %arg13[%swap3A_38, %swap3A_39] : memref<512x256xf32, #tpu.memory_space<vmem>>, vector<512x256xf32>
    tpu.vector_store %arg13[%swap3A_38, %swap3A_39], %add3A_31 {strides = array<i32>} : memref<512x256xf32, #tpu.memory_space<vmem>>, vector<512x256xf32>,
    %reduce_max3A = arith.constant dense<0xFF800000> : vector<512xf32>
    %reduce_max3A_41 = vector.multi_reduction <maximumf>, %add3A_11, %reduce_max3A [1] : vector<512x65xf32> to vector<512xf32>
    %broadcast_in_dim3A = vector.shape_cast %reduce_max3A_41 : vector<512xf32> to vector<512x1xf32>
    %iota3A = tpu.iota {dimensions = array<i32: 1>} : vector<512x65xi32>
    %eq3A_42 = vector.broadcast %broadcast_in_dim3A : vector<512x1xf32> to vector<512x65xf32>
    %eq3A_43 = arith.cmpf oeq, %add3A_11, %eq3A_42 : vector<512x65xf32>
    %jit3A = arith.constant 65 : i32
    %broadcast_in_dim3A_44 = vector.broadcast %jit3A : i32 to vector<512x65xi32>
    %select_n3A = arith.select %eq3A_43, %iota3A, %broadcast_in_dim3A_44 : vector<512x65xi1>, vector<512x65xi32>
    %reduce_min3A = arith.constant dense<2147483647> : vector<512xi32>
    %reduce_min3A_45 = vector.multi_reduction <minsi>, %select_n3A, %reduce_min3A [1] : vector<512x65xi32> to vector<512xi32>
    %broadcast_in_dim3A_46 = vector.shape_cast %reduce_min3A_45 : vector<512xi32> to vector<512x1xi32>
    %reduce_max3A_47 = arith.constant dense<0xFF800000> : vector<512xf32>
    %reduce_max3A_48 = vector.multi_reduction <maximumf>, %add3A_21, %reduce_max3A_47 [1] : vector<512x65xf32> to vector<512xf32>
    %broadcast_in_dim3A_49 = vector.shape_cast %reduce_max3A_48 : vector<512xf32> to vector<512x1xf32>
    %iota3A_50 = tpu.iota {dimensions = array<i32: 1>} : vector<512x65xi32>
    %eq3A_51 = vector.broadcast %broadcast_in_dim3A_49 : vector<512x1xf32> to vector<512x65xf32>
    %eq3A_52 = arith.cmpf oeq, %add3A_21, %eq3A_51 : vector<512x65xf32>
    %jit3A_53 = arith.constant 65 : i32
    %broadcast_in_dim3A_54 = vector.broadcast %jit3A_53 : i32 to vector<512x65xi32>
    %select_n3A_55 = arith.select %eq3A_52, %iota3A_50, %broadcast_in_dim3A_54 : vector<512x65xi1>, vector<512x65xi32>
    %reduce_min3A_56 = arith.constant dense<2147483647> : vector<512xi32>
    %reduce_min3A_57 = vector.multi_reduction <minsi>, %select_n3A_55, %reduce_min3A_56 [1] : vector<512x65xi32> to vector<512xi32>
    %broadcast_in_dim3A_58 = vector.shape_cast %reduce_min3A_57 : vector<512xi32> to vector<512x1xi32>
    %reduce_max3A_59 = arith.constant dense<0xFF800000> : vector<512xf32>
    %reduce_max3A_60 = vector.multi_reduction <maximumf>, %add3A_31, %reduce_max3A_59 [1] : vector<512x256xf32> to vector<512xf32>
    %broadcast_in_dim3A_61 = vector.shape_cast %reduce_max3A_60 : vector<512xf32> to vector<512x1xf32>
    %iota3A_62 = tpu.iota {dimensions = array<i32: 1>} : vector<512x256xi32>
    %eq3A_63 = vector.broadcast %broadcast_in_dim3A_61 : vector<512x1xf32> to vector<512x256xf32>
    %eq3A_64 = arith.cmpf oeq, %add3A_31, %eq3A_63 : vector<512x256xf32>
    %jit3A_65 = arith.constant 256 : i32
    %broadcast_in_dim3A_66 = vector.broadcast %jit3A_65 : i32 to vector<512x256xi32>
    %select_n3A_67 = arith.select %eq3A_64, %iota3A_62, %broadcast_in_dim3A_66 : vector<512x256xi1>, vector<512x256xi32>
    %reduce_min3A_68 = arith.constant dense<2147483647> : vector<512xi32>
    %reduce_min3A_69 = vector.multi_reduction <minsi>, %select_n3A_67, %reduce_min3A_68 [1] : vector<512x256xi32> to vector<512xi32>
    %broadcast_in_dim3A_70 = vector.shape_cast %reduce_min3A_69 : vector<512xi32> to vector<512x1xi32>
    %get3A_71 = arith.constant 0 : index
    %get3A_72 = arith.constant 0 : index
    %get3A_73 = vector.load %arg2[%get3A_71, %get3A_72] : memref<64x512xi32, #tpu.memory_space<vmem>>, vector<64x512xi32>
    %transpose3A_74 = tpu.transpose %get3A_73, [1, 0] : vector<64x512xi32> -> vector<512x64xi32>
    %iota3A_75 = tpu.iota {dimensions = array<i32: 1>} : vector<512x64xi32>
    %eq3A_76 = vector.broadcast %broadcast_in_dim3A_46 : vector<512x1xi32> to vector<512x64xi32>
    %eq3A_77 = arith.cmpi eq, %iota3A_75, %eq3A_76 : vector<512x64xi32>
    %jit3A_78 = arith.constant 0 : i32
    %broadcast_in_dim3A_79 = vector.broadcast %jit3A_78 : i32 to vector<512x64xi32>
    %select_n3A_80 = arith.select %eq3A_77, %transpose3A_74, %broadcast_in_dim3A_79 : vector<512x64xi1>, vector<512x64xi32>
    %convert_element_type3A_81 = arith.sitofp %select_n3A_80 : vector<512x64xi32> to vector<512x64xbf16>
    %broadcast_in_dim3A_82 = arith.constant 1.000000e+00 : bf16
    %broadcast_in_dim3A_83 = vector.broadcast %broadcast_in_dim3A_82 : bf16 to vector<64x1xbf16>
    %dot_general3A_84 = arith.constant dense<0.000000e+00> : vector<512x1xf32>
    %dot_general3A_85 = tpu.matmul %convert_element_type3A_81, %broadcast_in_dim3A_83, %dot_general3A_84 {dimension_numbers = #tpu.dot_dimension_numbers<[1], [0], [0], [1], [0, 0, 1, 1], [], []>, transpose_lhs_hint = false} : vector<512x64xbf16>, vector<64x1xbf16>, vector<512x1xf32> -> vector<512x1xf32>
    %convert_element_type3A_86 = arith.fptosi %dot_general3A_85 : vector<512x1xf32> to vector<512x1xi32>
    %concatenate3A = tpu.concatenate %broadcast_in_dim3A_58, %broadcast_in_dim3A_70, %convert_element_type3A_86, %convert_element_type3A_86 in 1 : vector<512x1xi32>, vector<512x1xi32>, vector<512x1xi32>, vector<512x1xi32> -> vector<512x4xi32>
    %swap3A_87 = arith.constant 0 : index
    %swap3A_88 = arith.constant 0 : index
    %swap3A_89 = vector.load %arg14[%swap3A_87, %swap3A_88] : memref<512x4xi32, #tpu.memory_space<vmem>>, vector<512x4xi32>
    tpu.vector_store %arg14[%swap3A_87, %swap3A_88], %concatenate3A {strides = array<i32>} : memref<512x4xi32, #tpu.memory_space<vmem>>, vector<512x4xi32>,
    %max3A = arith.constant 0 : i32
    %max3A_90 = vector.broadcast %max3A : i32 to vector<512x1xi32>
    %max3A_91 = arith.maxsi %convert_element_type3A_86, %max3A_90 : vector<512x1xi32>
    %min3A = arith.constant 255 : i32
    %min3A_92 = vector.broadcast %min3A : i32 to vector<512x1xi32>
    %min3A_93 = arith.minsi %max3A_91, %min3A_92 : vector<512x1xi32>
    %iota3A_94 = tpu.iota {dimensions = array<i32: 1>} : vector<512x512xi32>
    %and3A = arith.constant 255 : i32
    %and3A_95 = vector.broadcast %and3A : i32 to vector<512x512xi32>
    %and3A_96 = arith.andi %iota3A_94, %and3A_95 : vector<512x512xi32>
    %eq3A_97 = vector.broadcast %min3A_93 : vector<512x1xi32> to vector<512x512xi32>
    %eq3A_98 = arith.cmpi eq, %and3A_96, %eq3A_97 : vector<512x512xi32>
    %convert_element_type3A_99 = arith.extui %eq3A_98 : vector<512x512xi1> to vector<512x512xi32>
    %convert_element_type3A_100 = arith.sitofp %convert_element_type3A_99 : vector<512x512xi32> to vector<512x512xf32>
    %convert_element_type3A_101 = arith.truncf %convert_element_type3A_100 : vector<512x512xf32> to vector<512x512xbf16>
    %get3A_102 = arith.constant 0 : index
    %get3A_103 = arith.constant 0 : index
    %get3A_104 = vector.load %arg16[%get3A_102, %get3A_103] : memref<512x2048xbf16, #tpu.memory_space<vmem>>, vector<512x2048xbf16>
    %dot_general3A_105 = arith.constant dense<0.000000e+00> : vector<512x2048xf32>
    %dot_general3A_106 = tpu.matmul %convert_element_type3A_101, %get3A_104, %dot_general3A_105 {dimension_numbers = #tpu.dot_dimension_numbers<[1], [0], [0], [1], [0, 0, 1, 1], [], []>, transpose_lhs_hint = false} : vector<512x512xbf16>, vector<512x2048xbf16>, vector<512x2048xf32> -> vector<512x2048xf32>
    %swap3A_107 = arith.constant 0 : index
    %swap3A_108 = arith.constant 0 : index
    %swap3A_109 = vector.load %arg15[%swap3A_107, %swap3A_108] : memref<512x2048xf32, #tpu.memory_space<vmem>>, vector<512x2048xf32>
    tpu.vector_store %arg15[%swap3A_107, %swap3A_108], %dot_general3A_106 {strides = array<i32>} : memref<512x2048xf32, #tpu.memory_space<vmem>>, vector<512x2048xf32>,
    return
  }
  func.func @transform_0(%arg0: i32) -> (i32, i32) {
    %c0_i32 = arith.constant 0 : i32
    %c0_i32_0 = arith.constant 0 : i32
    return %arg0, %c0_i32 : i32, i32
  }
  func.func @transform_1(%arg0: i32) -> (i32, i32) {
    %c0_i32 = arith.constant 0 : i32
    %c0_i32_0 = arith.constant 0 : i32
    return %c0_i32, %arg0 : i32, i32
  }
  func.func @transform_2(%arg0: i32) -> (i32, i32) {
    %c0_i32 = arith.constant 0 : i32
    %c0_i32_0 = arith.constant 0 : i32
    %c0_i32_1 = arith.constant 0 : i32
    return %c0_i32, %c0_i32_0 : i32, i32
  }
  func.func @transform_3(%arg0: i32) -> (i32, i32) {
    %c0_i32 = arith.constant 0 : i32
    %c0_i32_0 = arith.constant 0 : i32
    %c0_i32_1 = arith.constant 0 : i32
    return %c0_i32, %c0_i32_0 : i32, i32
  }
  func.func @transform_4(%arg0: i32) -> (i32, i32) {
    %c0_i32 = arith.constant 0 : i32
    %c0_i32_0 = arith.constant 0 : i32
    %c0_i32_1 = arith.constant 0 : i32
    return %c0_i32, %c0_i32_0 : i32, i32
  }
  func.func @transform_5(%arg0: i32) -> (i32, i32) {
    %c0_i32 = arith.constant 0 : i32
    %c0_i32_0 = arith.constant 0 : i32
    %c0_i32_1 = arith.constant 0 : i32
    return %c0_i32, %c0_i32_0 : i32, i32
  }
  func.func @transform_6(%arg0: i32) -> (i32, i32) {
    %c0_i32 = arith.constant 0 : i32
    %c0_i32_0 = arith.constant 0 : i32
    %c0_i32_1 = arith.constant 0 : i32
    return %c0_i32, %c0_i32_0 : i32, i32
  }
  func.func @transform_7(%arg0: i32) -> (i32, i32) {
    %c0_i32 = arith.constant 0 : i32
    %c0_i32_0 = arith.constant 0 : i32
    %c0_i32_1 = arith.constant 0 : i32
    return %c0_i32, %c0_i32_0 : i32, i32
  }
  func.func @transform_8(%arg0: i32) -> (i32, i32) {
    %c0_i32 = arith.constant 0 : i32
    %c0_i32_0 = arith.constant 0 : i32
    %c0_i32_1 = arith.constant 0 : i32
    return %c0_i32, %c0_i32_0 : i32, i32
  }
  func.func @transform_9(%arg0: i32) -> (i32, i32) {
    %c0_i32 = arith.constant 0 : i32
    %c0_i32_0 = arith.constant 0 : i32
    %c0_i32_1 = arith.constant 0 : i32
    return %c0_i32, %c0_i32_0 : i32, i32
  }
  func.func @transform_10(%arg0: i32) -> (i32, i32) {
    %c0_i32 = arith.constant 0 : i32
    %c0_i32_0 = arith.constant 0 : i32
    return %c0_i32, %arg0 : i32, i32
  }
  func.func @transform_11(%arg0: i32) -> (i32, i32) {
    %c0_i32 = arith.constant 0 : i32
    %c0_i32_0 = arith.constant 0 : i32
    return %c0_i32, %arg0 : i32, i32
  }
  func.func @transform_12(%arg0: i32) -> (i32, i32) {
    %c0_i32 = arith.constant 0 : i32
    %c0_i32_0 = arith.constant 0 : i32
    return %arg0, %c0_i32 : i32, i32
  }
  func.func @transform_13(%arg0: i32) -> (i32, i32) {
    %c0_i32 = arith.constant 0 : i32
    %c0_i32_0 = arith.constant 0 : i32
    return %arg0, %c0_i32 : i32, i32
  }
  func.func @transform_14(%arg0: i32) -> (i32, i32) {
    %c0_i32 = arith.constant 0 : i32
    %c0_i32_0 = arith.constant 0 : i32
    return %arg0, %c0_i32 : i32, i32
  }
}

</mosaic_0001>

<sc_bundles>
// kernel: kernel.4.cloned.1.call-start
scs
__scs_entry_jumppad:
0x0: {  	(pc) =	sbr.rel $0x88, $3  }
0x1: {  	(tag) =	ssettag $0x0;
	lr =	simm.s32 $0x1  }
0x2: {  	[smem:$0x3F97] =	sst lr;
	_ =	strace $0xD0000000  }
0x3: {  	_ = 	snop  }
0x4: {  	_ = 	snop  }
0x5: {  	_ = 	snop  }
0x6: {  	_ = 	snop  }
0x7: {  	_ = 	snop  }
__scs_overlays_trampoline_lowered:
0x8: {  	[smem:$0x3FA6] =	sst s0  }
0x9: {  	[smem:$0x3FA7] =	sst s1  }
0xa: {  	[smem:$0x3FA8] =	sst s2  }
0xb: {  	[smem:$0x3FA9] =	sst s3  }
0xc: {  	[smem:$0x3FAA] =	sst s4  }
0xd: {  	[smem:$0x3FAB] =	sst s5  }
0xe: {  	[smem:$0x3FAC] =	sst s6  }
0xf: {  	[smem:$0x3FAD] =	sst s7  }
0x10: {  	[smem:$0x3FAE] =	sst s8  }
0x11: {  	[smem:$0x3FAF] =	sst s9;
	s0 =	simm.s32 @!p0 $0x0  }
0x12: {  	s1 =	sld [smem:$0x3F95];
	s0 =	simm.s32 @p0 $0x1  }
0x13: {  	[smem:$0x3FB0] =	sst s0;
	s0 =	simm.s32 @!p1 $0x0  }
0x14: {  	s2 =	sld [smem:$0x3F94];
	s0 =	simm.s32 @p1 $0x1  }
0x15: {  	[smem:$0x3FB1] =	sst s0;
	s0 =	simm.s32 @!p2 $0x0  }
0x16: {  	s3 =	sld [smem:$0x3FDB];
	s0 =	simm.s32 @p2 $0x1  }
0x17: {  	s4 =	simm.s32 $0x1BF5;
	[smem:$0x3FB3] =	sst s0  }
0x18: {  	s0 =	sld [smem:$0x3F96];
	_ =	swait.ge [sflag:s4], $0x0  }
0x19: {  	s7 =	sld [smem:$0x3F97]  }
0x1a: {  	s8 =	sadd.s32 $0xFFFFE003, lr  }
0x1b: {  	s9 =	sadd.s32 $0xFFFFFEF7, lr;
	s5 =	simm.s32 $0xFFFFFFFF;
	p2 =	slt.u32 s8, $0xFFFFF086  }
0x1c: {  	p1 =	slt.u32 s9, $0xF7A;
	s5 =	simm.s32 @!p2 $0x0  }
0x1d: {  	s5 =	simm.s32 @p1 $0x1;
	p0 =	seq.s32 s7, s2  }
0x1e: {  	s7 =	smul.u32 @!p0 $0xF7A, s2;
	p2 =	seq.s32 @!p0 s5, $0x0  }
0x1f: {  	s9 =	smul.u32 $0xF7A, s1;
	s8 =	simm.s32 @!p0 $0x1BF5;
	p2 =	por !p2, p0  }
0x20: {  	[sflag:s8] =	ssyncset.s32 @!p0 $0xFFFFF086;
	s6 =	sadd.s32 @!p0 s3, s7;
	s7 =	simm.s32 @!p0 $0x108  }
0x21: {  	s3 =	sadd.s32 s3, s9;
	s6 =	sadd.s32 @!p0 $0x88, s6;
	s7 =	simm.s32 @p2 $0x1082  }
0x22: {  	[simem:s7], [sflag:s8] =	dma.local @!p0 [hbm:s6], $0xF7A  }
0x23: {  	s9 =	sor.u32 $0xD0000000, s2;
	s6 =	simm.s32 $0x108;
	_ =	swait.ge @!p0 [sflag:s8], $0x0  }
0x24: {  	s3 =	sadd.s32 $0x88, s3;
	s6 =	simm.s32 @!p1 $0x1082;
	[sflag:s4] =	ssyncset.s32 $0xFFFFF086  }
0x25: {  	[simem:s6], [sflag:s4] =	dma.local [hbm:s3], $0xF7A  }
0x26: {  	[smem:$0x3F97] =	sst s1;
	(tag) =	ssettag s2;
	_ =	strace s9  }
0x27: {  	s1 =	sld [smem:$0x3FA7]  }
0x28: {  	s2 =	sld [smem:$0x3FA8]  }
0x29: {  	s4 =	sld [smem:$0x3FAA]  }
0x2a: {  	p0 =	seq.s32 s5, $0x0;
	s5 =	sld [smem:$0x3FAB]  }
0x2b: {  	s6 =	sld [smem:$0x3FAC]  }
0x2c: {  	s7 =	sld [smem:$0x3FAD]  }
0x2d: {  	s3 =	simm.s32 $0x108;
	s8 =	sld [smem:$0x3FAE]  }
0x2e: {  	s3 =	simm.s32 @!p0 $0x1082;
	s9 =	sld [smem:$0x3FAF]  }
0x2f: {  	lr =	sadd.s32 s0, s3;
	s0 =	sld [smem:$0x3FA6]  }
0x30: {  	s3 =	sld [smem:$0x3FA9]  }
0x31: {  	[smem:$0x3FB2] =	sst s10  }
0x32: {  	s10 =	sld [smem:$0x3FB0];
	_ =	sdelay $0x3  }
0x33: {  	p0 =	seq.s32 s10, $0x1;
	s10 =	sld [smem:$0x3FB2];
	_ =	sdelay $0x3  }
0x34: {  	[smem:$0x3FB2] =	sst s10  }
0x35: {  	s10 =	sld [smem:$0x3FB1];
	_ =	sdelay $0x3  }
0x36: {  	p1 =	seq.s32 s10, $0x1;
	s10 =	sld [smem:$0x3FB2];
	_ =	sdelay $0x3  }
0x37: {  	[smem:$0x3FB2] =	sst s10  }
0x38: {  	s10 =	sld [smem:$0x3FB3]  }
0x39: {  	_ = 	snop;
	(pc) =	sbr.ind lr, $3  }
0x3a: {  	_ = 	snop  }
0x3b: {  	_ = 	snop  }
0x3c: {  	p2 =	seq.s32 s10, $0x1;
	s10 =	sld [smem:$0x3FB2]  }
0x3d: {  	_ =	shalt  }
0x3e: {  	_ =	shalt  }
0x3f: {  	_ =	shalt  }
0x40: {  	_ =	shalt  }
0x41: {  	_ =	shalt  }
0x42: {  	_ =	shalt  }
0x43: {  	_ =	shalt  }
0x44: {  	_ =	shalt  }
0x45: {  	_ =	shalt  }
0x46: {  	_ =	shalt  }
0x47: {  	_ =	shalt  }
0x48: {  	_ =	shalt  }
0x49: {  	_ =	shalt  }
0x4a: {  	_ =	shalt  }
0x4b: {  	_ =	shalt  }
0x4c: {  	_ =	shalt  }
0x4d: {  	_ =	shalt  }
0x4e: {  	_ =	shalt  }
0x4f: {  	_ =	shalt  }
0x50: {  	_ =	shalt  }
0x51: {  	_ =	shalt  }
0x52: {  	_ =	shalt  }
0x53: {  	_ =	shalt  }
0x54: {  	_ =	shalt  }
0x55: {  	_ =	shalt  }
0x56: {  	_ =	shalt  }
0x57: {  	_ =	shalt  }
0x58: {  	_ =	shalt  }
0x59: {  	_ =	shalt  }
0x5a: {  	_ =	shalt  }
0x5b: {  	_ =	shalt  }
0x5c: {  	_ =	shalt  }
0x5d: {  	_ =	shalt  }
0x5e: {  	_ =	shalt  }
0x5f: {  	_ =	shalt  }
0x60: {  	_ =	shalt  }
0x61: {  	_ =	shalt  }
0x62: {  	_ =	shalt  }
0x63: {  	_ =	shalt  }
0x64: {  	_ =	shalt  }
0x65: {  	_ =	shalt  }
0x66: {  	_ =	shalt  }
0x67: {  	_ =	shalt  }
0x68: {  	_ =	shalt  }
0x69: {  	_ =	shalt  }
0x6a: {  	_ =	shalt  }
0x6b: {  	_ =	shalt  }
0x6c: {  	_ =	shalt  }
0x6d: {  	_ =	shalt  }
0x6e: {  	_ =	shalt  }
0x6f: {  	_ =	shalt  }
0x70: {  	_ =	shalt  }
0x71: {  	_ =	shalt  }
0x72: {  	_ =	shalt  }
0x73: {  	_ =	shalt  }
0x74: {  	_ =	shalt  }
0x75: {  	_ =	shalt  }
0x76: {  	_ =	shalt  }
0x77: {  	_ =	shalt  }
0x78: {  	_ =	shalt  }
0x79: {  	_ =	shalt  }
0x7a: {  	_ =	shalt  }
0x7b: {  	_ =	shalt  }
0x7c: {  	_ =	shalt  }
0x7d: {  	_ =	shalt  }
0x7e: {  	_ =	shalt  }
0x7f: {  	_ =	shalt  }
0x80: {  	_ =	shalt  }
0x81: {  	_ =	shalt  }
0x82: {  	_ =	shalt  }
0x83: {  	_ =	shalt  }
0x84: {  	_ =	shalt  }
0x85: {  	_ =	shalt  }
0x86: {  	_ =	shalt  }
0x87: {  	_ =	shalt  }
.Lfunc_end0:
.L_simem_size_0:
called_computation_lowered:
.L_overlay_start_0:
0x88: {  	s2 =	sld [smem:$0x3FD9]  }
0x89: {  	s3 =	sld [smem:$0x3FFE];
	_ =	sdelay $0x1  }
0x8a: {  	s1 =	srdreg.scid  }
0x8b: {  	s0 =	sand.u32 $0x1, s1  }
0x8c: {  	s14 =	sshll.u32 s0, $0xA;
	s2 =	sadd.s32 s3, s2  }
0x8d: {  	s2 =	sadd.s32 s2, s14  }
0x8e: {  	[smem:$0x3FBE] =	sst s2  }
0x8f: {  	_ = 	snop  }
0x90: {  	s2 =	sld [smem:$0x3FD0];
	_ =	sdelay $0x2  }
0x91: {  	s4 =	simm.s32 $0xA;
	s5 =	simm.s32 $0x10;
	s15 =	sld [smem:$0x3FC8]  }
0x92: {  	[smem:s5], [sflag:s4] =	dma.local [hbm:s2], $0x1  }
0x93: {  	_ =	swait.eq [sflag:s4], $0x1  }
0x94: {  	[sflag:s4] =	ssyncset.done $0x0  }
0x95: {  	s16 =	sld [smem:$0x13];
	[sflag:s4] =	ssyncadd.s32 $0xFFFFFFFF  }
0x96: {  	s17 =	sld [smem:$0x14];
	(tm) =	ssettm $0x1  }
0x97: {  	s18 =	sld [smem:$0x3FFB];
	_ =	sdelay $0x3  }
0x98: {  	_ =	strace s18  }
0x99: {  	s5 =	sld [smem:$0x3FFC];
	_ =	sdelay $0x3  }
0x9a: {  	_ =	strace s5  }
0x9b: {  	s5 =	sld [smem:$0x3FFD];
	_ =	sdelay $0x3  }
0x9c: {  	_ =	strace s5  }
0x9d: {  	_ =	strace $0x8FFFFFFF  }
0x9e: {  	s19 =	sld [smem:$0x3FDB];
	_ =	sdelay $0x1  }
0x9f: {  	s6 =	simm.s32 $_scs_section_size  }
0xa0: {  	s7 =	simm.s32 $_size__tile_overlayer_lowered;
	s8 =	simm.s32 $_tile_overlayer_lowered  }
0xa1: {  	s22 =	simm.s32 $0x1BFF;
	s21 =	sshll.u32 s8, $0x1;
	s5 =	sadd.s32 s6, s19  }
0xa2: {  	s9 =	simm.s32 $0x0;
	s20 =	sshll.u32 s7, $0x1;
	s7 =	sadd.s32 s21, s5  }
0xa3: {  	[timem:s9], [sflag:s22] =	dma.local [hbm:s7], s20  }
0xa4: {  	_ =	swait.ge [sflag:s22], s20  }
0xa5: {  	s6 =	ssub.s32 $0x0, s20;
	[sflag:s22] =	ssyncset.done $0x0  }
0xa6: {  	[sflag:s22] =	ssyncadd.s32 s6;
	_ =	sdelay $0x1  }
0xa7: {  	s23 =	simm.s32 $0x1B8B  }
0xa8: {  	_ =	swait.ge [sflag:s23], $0x1  }
0xa9: {  	[sflag:s23] =	ssyncset.done $0x0  }
0xaa: {  	s25 =	simm.s32 $0x1B8E;
	s24 =	sld [smem:$0x3FFE];
	[sflag:s23] =	ssyncadd.s32 $0xFFFFFFFF  }
0xab: {  	s26 =	simm.s32 $execute0_lowered;
	[smem:$0x3FD2] =	sst s25  }
0xac: {  	s7 =	sshll.u32 s26, $0x1;
	_ =	strace $0x80000046;
	[dreg:$0x1] =	wrdreg $0xFFFFFFFF  }
0xad: {  	s28 =	simm.s32 $_size_execute0_lowered;
	s5 =	sadd.s32 s5, s7;
	[dreg:$0x0] =	wrdreg $0x0  }
0xae: {  	s7 =	sshll.u32 s28, $0x1;
	[dreg:$0x2] =	wrdreg s5  }
0xaf: {  	[dreg:$0x3] =	wrdreg s7  }
0xb0: {  	[dreg:$0x4] =	wrdreg $0xC0  }
0xb1: {  	_ =	task [dreg:s9], $0x5FFFF  }
0xb2: {  	[dreg:$0x1] =	wrdreg $0xFFFFFFFF  }
0xb3: {  	[dreg:$0x0] =	wrdreg $0x60  }
0xb4: {  	[dreg:$0x2] =	wrdreg s15  }
0xb5: {  	[dreg:$0x3] =	wrdreg s24  }
0xb6: {  	[dreg:$0x4] =	wrdreg s16  }
0xb7: {  	[dreg:$0x5] =	wrdreg s17  }
0xb8: {  	[dreg:$0x6] =	wrdreg $0x9  }
0xb9: {  	_ =	task.clear_ibuf [dreg:s9], $0x7FFFF;
	_ =	strace $0x90000046  }
0xba: {  	s29 =	simm.s32 $0x9;
	_ =	strace $0x80000048  }
0xbb: {  	_ =	swait.ge [sflag:s29], $0x1  }
0xbc: {  	[sflag:s29] =	ssyncadd.s32 $0xFFFFFFFF  }
0xbd: {  	_ =	strace $0x90000048  }
0xbe: {  	_ =	sfence  }
0xbf: {  	s30 =	sld [smem:$0x0];
	_ =	sdelay $0x2  }
0xc0: {  	s31 =	sshll.u32 s1, $0xD;
	s1 =	sshrl.u32 s1, $0x2  }
0xc1: {  	s3 =	sand.u32 $0x4000, s31;
	s1 =	sadd.s32 s1, s30  }
0xc2: {  	s0 =	sor.u32 s3, s0;
	s1 =	sshll.u32 s1, $0x11  }
0xc3: {  	s0 =	sor.u32 s1, s0  }
0xc4: {  	s0 =	sadd.s32 $0x8F2B, s0  }
0xc5: {  	[sflag:s0] =	ssyncadd.remote.s32 $0x1  }
0xc6: {  	_ =	sfence.sel $0xFFFF  }
0xc7: {  	[dreg:$0x0] =	wrdreg $0xFFFFFFFF;
	(pc) =	sbr.abs _section_cstart, $3  }
0xc8: {  	[dreg:$0x1] =	wrdreg $0xFFFFFFFF  }
0xc9: {  	_ =	task.clear_ibuf [dreg:s9], $0x2FFFF;
	_ =	strace $0x9FFFFFFF  }
0xca: {  	(tm) =	ssettm $0x7FFFFFFF  }
0xcb: {  	_ =	shalt  }
tec
execute0_lowered:
.L_overlay_start_1:
0x0: {  	(tag) =	ssettag $0x1  }
0x1: {  	s4 =	rddreg [dreg:$0x0]  }
0x2: {  	s3 =	rddreg [dreg:$0x1]  }
0x3: {  	s1 =	srdreg.scid;
	s5 =	rddreg [dreg:$0x2]  }
0x4: {  	s0 =	stileid.u32;
	s7 =	rddreg [dreg:$0x3]  }
0x5: {  	s2 =	simm.s32 $0x0;
	s10 =	simm.s32 $0x4000;
	s11 =	simm.s32 $0x1  }
0x6: {  	s12 =	simm.s32 $0x2;
	s13 =	simm.s32 $0x3;
	s14 =	simm.s32 $0x6000  }
0x7: {  	s15 =	simm.s32 $0x0;
	s6 =	sand.u32 $0x1, s1;
	s1 =	rddreg [dreg:$0x4]  }
0x8: {  	s8 =	sshll.u32 s0, $0x8;
	[smem:$0x7FF] =	sst s2;
	s9 =	sshll.u32 s6, $0x7  }
0x9: {  	s6 =	ssub.s32 $0x2, s6;
	_ =	strace $0x80000047;
	s8 =	sor.u32 s9, s8  }
0xa: {  	s30 =	sshrl.u32 s6, $0x1;
	s9 =	sshll.u32 s8, $0x4;
	s31 =	sshrl.u32 s8, $0x3  }
0xb: {  	s4 =	sadd.s32 s4, s8;
	s5 =	sadd.s32 s5, s8;
	s8 =	simm.s32 $0x400  }
0xc: {  	s3 =	sadd.s32 s9, s3;
	s9 =	ssub.s32 s6, s30;
	s6 =	sadd.s32 s7, s31  }
0xd: {  	v0 =	vlaneseq.u32;
	s3 =	sadd.s32 $0x1C00, s3;
	s7 =	smax.u32 s9, $0x1;
	s9 =	simm.s32 $0x8000  }
.LBB2_1:
0xe: {  	[tilespmem:s2], [sflag:$0x1] =	stream.linear.gather [hbm4b:s3+s2], $0x4000, $0x38;
	[tilespmem:$0x6080] =	vst v63  }
0xf: {  	_ = 	snop  }
0x10: {  	[tilespmem:s10], [sflag:$0x2] =	stream.strided.gather [hbm4b:s4+s8], $0x2000, s9, s8, $0x38;
	[tilespmem:$0x6080] =	vst v63  }
0x11: {  	v1 =	vor.u32 s2, v0;
	_ =	swait.ge [sflag:s11], $0x4000  }
0x12: {  	v2 =	vshll.u32 v1, $0x7;
	[sflag:s11] =	ssyncset.done $0x0  }
0x13: {  	[sflag:s11] =	ssyncadd.s32 $0xFFFFC000  }
0x14: {  	_ =	swait.ge [sflag:s12], $0x2000  }
0x15: {  	[sflag:s12] =	ssyncset.done $0x0  }
0x16: {  	[sflag:s12] =	ssyncadd.s32 $0xFFFFE000  }
0x17: {  	v3 =	vld.idx.msk [tilespmem:v2+s2+$0x0], $0xffff;
	_ =	sdelay $0x1  }
0x18: {  	v4 =	vor.u32 $0x2, v2  }
0x19: {  	v2 =	vor.u32 $0x1, v2;
	_ =	sdelay $0x1  }
0x1a: {  	vm0 =	vlt.s32 v3, $0x3F  }
0x1b: {  	v5 =	vnsel vm0, $0x3F, v3  }
0x1c: {  	s16 =	simm.s32 $0x10;
	v4 =	vld.idx.msk [tilespmem:v4+s2+$0x0], $0xffff;
	vm0 =	vlt.s32 v3, $0x40;
	v3 =	vshll.u32 v5, $0x7  }
0x1d: {  	v2 =	vld.idx.msk [tilespmem:v2+s2+$0x0], $0xffff;
	v5 =	vor.u32 s16, v0;
	v1 =	vadd.s32 v1, v3  }
0x1e: {  	v3 =	vshll.u32 v5, $0x7;
	_ =	sdelay $0x2  }
0x1f: {  	[tilespmem:s14+$0x0] =	vst v4  }
0x20: {  	[tilespmem:v1+s10+$0x0] =	vst.idx.msk vm0, v2  }
0x21: {  	v1 =	vld.idx.msk [tilespmem:v3+s2+$0x0], $0xffff;
	_ =	sdelay $0x1  }
0x22: {  	v2 =	vor.u32 $0x2, v3  }
0x23: {  	v3 =	vor.u32 $0x1, v3;
	_ =	sdelay $0x1  }
0x24: {  	vm0 =	vlt.s32 v1, $0x3F  }
0x25: {  	v4 =	vnsel vm0, $0x3F, v1  }
0x26: {  	s31 =	simm.s32 $0x20;
	v2 =	vld.idx.msk [tilespmem:v2+s2+$0x0], $0xffff;
	vm0 =	vlt.s32 v1, $0x40;
	v4 =	vshll.u32 v4, $0x7  }
0x27: {  	s17 =	simm.s32 $0x30;
	s16 =	simm.s32 $0x6000;
	v3 =	vld.idx.msk [tilespmem:v3+s2+$0x0], $0xffff;
	v1 =	vor.u32 s31, v0;
	v4 =	vadd.s32 v5, v4  }
.LBB2_2:
0x28: {  	p0 =	sne.s32 s17, $0x70;
	v5 =	vshll.u32 v1, $0x7;
	_ =	sdelay $0x1  }
0x29: {  	s16 =	sadd.s32 $0x10, s16  }
0x2a: {  	[tilespmem:s16+$0x0] =	vst v2  }
0x2b: {  	[tilespmem:v4+s10+$0x0] =	vst.idx.msk vm0, v3  }
0x2c: {  	v4 =	vld.idx.msk [tilespmem:v5+s2+$0x0], $0xffff;
	_ =	sdelay $0x1  }
0x2d: {  	v2 =	vor.u32 $0x2, v5  }
0x2e: {  	v3 =	vor.u32 $0x1, v5;
	_ =	sdelay $0x1  }
.Ltmp0:
0x2f: {  	(pc) =	sbr.rel @p0 .LBB2_2-.Ltmp0, $4  }
0x30: {  	vm0 =	vlt.s32 v4, $0x3F  }
0x31: {  	v5 =	vnsel vm0, $0x3F, v4;
	v2 =	vld.idx.msk [tilespmem:v2+s2+$0x0], $0xffff  }
0x32: {  	vm0 =	vlt.s32 v4, $0x40;
	v4 =	vshll.u32 v5, $0x7;
	v3 =	vld.idx.msk [tilespmem:v3+s2+$0x0], $0xffff  }
0x33: {  	v4 =	vadd.s32 v1, v4;
	v1 =	vor.u32 s17, v0;
	s17 =	sadd.s32 $0x10, s17  }
0x34: {  	_ = 	snop  }
0x35: {  	v5 =	vshll.u32 v1, $0x7;
	_ =	sdelay $0x1  }
0x36: {  	s16 =	sadd.s32 $0x10, s16  }
0x37: {  	[tilespmem:s16+$0x0] =	vst v2  }
0x38: {  	[tilespmem:v4+s10+$0x0] =	vst.idx.msk vm0, v3  }
0x39: {  	v2 =	vld.idx.msk [tilespmem:v5+s2+$0x0], $0xffff;
	_ =	sdelay $0x1  }
0x3a: {  	v3 =	vor.u32 $0x2, v5  }
0x3b: {  	v62 =	vor.u32 $0x1, v5;
	_ =	sdelay $0x1  }
0x3c: {  	vm14 =	vlt.s32 v2, $0x3F  }
0x3d: {  	v63 =	vnsel vm14, $0x3F, v2  }
0x3e: {  	v3 =	vld.idx.msk [tilespmem:v3+s2+$0x0], $0xffff;
	vm15 =	vlt.s32 v2, $0x40;
	v2 =	vshll.u32 v63, $0x7  }
0x3f: {  	v4 =	vld.idx.msk [tilespmem:v62+s2+$0x0], $0xffff;
	v1 =	vadd.s32 v1, v2;
	_ =	sdelay $0x2  }
0x40: {  	s16 =	sadd.s32 $0x10, s16  }
0x41: {  	[tilespmem:s16+$0x0] =	vst v3  }
0x42: {  	[tilespmem:v1+s10+$0x0] =	vst.idx.msk vm15, v4  }
0x43: {  	[hbm4b:s5+s8] =	stream.strided.scatter [tilespmem:s10], [sflag:$0x3], $0x2000, s9, s8, $0x38;
	[tilespmem:$0x6080] =	vst v63  }
0x44: {  	s15 =	sadd.s32 $0x1, s15;
	_ =	swait.ge [sflag:s13], $0x2000  }
0x45: {  	p0 =	sne.s32 s15, s7;
	[sflag:s13] =	ssyncset.done $0x0  }
.Ltmp1:
0x46: {  	[sflag:s13] =	ssyncadd.s32 $0xFFFFE000;
	(pc) =	sbr.rel @p0 .LBB2_1-.Ltmp1, $4  }
0x47: {  	[hbm4b:s6+s2] =	stream.linear.scatter [tilespmem:s14], [sflag:$0x3], $0x80, $0x38;
	[tilespmem:$0x6080] =	vst v63  }
0x48: {  	_ =	swait.ge [sflag:s13], $0x80  }
0x49: {  	[sflag:s13] =	ssyncset.done $0x0  }
0x4a: {  	[sflag:s13] =	ssyncadd.s32 $0xFFFFFF80  }
0x4b: {  	_ =	sfence.sel $0x180000  }
0x4c: {  	[bflag:$0x0] =	sbarrier.arrive $0xFFFF  }
0x4d: {  	p0 =	sne.s32 s0, $0x0;
	_ =	strace $0x90000047  }
0x4e: {  	s0 =	sadd.s32 @!p0 $0x100000, s1;
	[bflag:$0x2] =	sbarrier.arrive $0xFFFF  }
0x4f: {  	[sflag:s0] =	ssyncadd.tile.s32 @!p0 $0x1;
	_ =	shalt  }
.Lfunc_end2:
_tile_overlayer_lowered:
.L_overlay_start_2:
0x50: {  	(tag) =	ssettag $0x2  }
0x51: {  	s0 =	rddreg [dreg:$0x0];
	s2 =	stileid.u32  }
0x52: {  	s1 =	rddreg [dreg:$0x1];
	p0 =	sne.s32 s2, $0x0  }
0x53: {  	s3 =	rddreg [dreg:$0x2];
	[bflag:$0x3] =	sbarrier.arrive $0xFFFF;
	s2 =	simm.s32 @!p0 $0x1C03  }
0x54: {  	[timem:s3], [sflag:s2] =	dma.local @!p0 [hbm:s0], s1  }
0x55: {  	s0 =	simm.s32 @!p0 $0x3  }
0x56: {  	_ =	swait.ge @!p0 [sflag:s0], s1  }
0x57: {  	s1 =	ssub.s32 @!p0 $0x0, s1;
	[sflag:s0] =	ssyncset.done @!p0 $0x0  }
0x58: {  	[sflag:s0] =	ssyncadd.s32 @!p0 s1  }
0x59: {  	[bflag:$0x3] =	sbarrier.arrive $0xFFFF  }
0x5a: {  	_ =	shalt  }

</sc_bundles>
